<compile_context>
chip_gen: v7x
topology: tpu7x:2x2x1
jax: 0.10.2.dev20260603
libtpu: 0.0.44.dev20260713+nightly
codegen_flags: <defaults>
</compile_context>

<pallas_src>
import jax
import jax.numpy as jnp
from jax import lax
from jax.experimental import pallas as pl
from jax.experimental.pallas import tpu as pltpu
from jax.experimental.pallas import tpu_sc as plsc

_INFO = plsc.get_sparse_core_info()
_NC = _INFO.num_cores
_NS = _INFO.num_subcores
_NW = _NC * _NS

_TOTAL = 16 * 3 * 640 * 640
_PER_W = _TOTAL // _NW
_N_CHUNKS = 10
_CHUNK = _PER_W // _N_CHUNKS


def _vsc_body(x_hbm, o_hbm, buf0, buf1, sin, sout):
    wid = lax.axis_index("s") * _NC + lax.axis_index("c")
    base = wid * _PER_W
    bufs = (buf0, buf1)
    ins = [
        pltpu.make_async_copy(
            x_hbm.at[pl.ds(base + j * _CHUNK, _CHUNK)], bufs[j % 2], sin.at[j % 2]
        )
        for j in range(_N_CHUNKS)
    ]
    outs = [
        pltpu.make_async_copy(
            bufs[j % 2], o_hbm.at[pl.ds(base + j * _CHUNK, _CHUNK)], sout.at[j % 2]
        )
        for j in range(_N_CHUNKS)
    ]
    ins[0].start()
    for j in range(_N_CHUNKS):
        if j + 1 < _N_CHUNKS:
            if j - 1 >= 0:
                outs[j - 1].wait()
            ins[j + 1].start()
        ins[j].wait()
        outs[j].start()
    outs[_N_CHUNKS - 2].wait()
    outs[_N_CHUNKS - 1].wait()


def kernel(images):
    b, c, h, w = images.shape
    flat = images.reshape(_TOTAL)
    mesh = plsc.VectorSubcoreMesh(core_axis_name="c", subcore_axis_name="s")
    out = pl.kernel(
        _vsc_body,
        out_type=jax.ShapeDtypeStruct((_TOTAL,), jnp.float32),
        mesh=mesh,
        scratch_types=[
            pltpu.VMEM((_CHUNK,), jnp.float32),
            pltpu.VMEM((_CHUNK,), jnp.float32),
            pltpu.SemaphoreType.DMA((2,)),
            pltpu.SemaphoreType.DMA((2,)),
        ],
    )(flat)
    return out.reshape(b, c, h, w)

# --- scband reference (transcript-rebuilt; emitter-appended) ---
"""Pipeline reference for scband-yolo-transform-60086592471155 (READ-ONLY COPY).

The authoritative reference and input builder live on the scoring server;
editing this copy changes nothing except your own understanding.
"""

import jax, jax.numpy as jnp
import numpy as np

def setup_inputs(seed: int = 0) -> dict:
    key = jax.random.key(seed)
    images = jax.random.uniform(key, (16, 3, 640, 640), dtype=jnp.float32)
    return {"images": images}

def reference(images):
    # YoloTransform.forward with a torch.Tensor input: pre_processing only.
    # not_tensor is False, so: move to device (no-op in jax), cast to float32
    # (fp16=False), and NO /255 division (only applied for list/ndarray inputs).
    im = images.astype(jnp.float32)
    return im

if __name__ == "__main__":
    import jax
    _d = setup_inputs()
    print(jax.jit(kernel)(*tuple(_d.values())))

</pallas_src>

<mosaic_0001>
#map = affine_map<(d0, d1) -> (0)>
module attributes {stable_mosaic.version = 14 : i64} {
  func.func @_vsc_body(%arg0: i32, %arg1: i32, %arg2: memref<19660800xf32, #tpu.memory_space<hbm>>, %arg3: memref<19660800xf32, #tpu.memory_space<hbm>>, %arg4: memref<61440xf32, #tpu.memory_space<vmem>>, %arg5: memref<61440xf32, #tpu.memory_space<vmem>>, %arg6: memref<2x!tpu.dma_semaphore, #tpu.memory_space<semaphore_mem>>, %arg7: memref<2x!tpu.dma_semaphore, #tpu.memory_space<semaphore_mem>>) attributes {dimension_semantics = [#tpu.dimension_semantics<core_parallel>, #tpu.dimension_semantics<subcore_parallel>], iteration_bounds = array<i64: 2, 16>, scalar_prefetch = 0 : i64, scratch_operands = 4 : i64, tpu.core_type = #tpu.core_type<sc_vector_subcore>, window_params = [{transform_indices = #map}, {transform_indices = #map}]} {
    %mul3A = arith.constant 2 : i32
    %mul3A_0 = arith.muli %arg1, %mul3A : i32
    %add3A = arith.addi %mul3A_0, %arg0 : i32
    %mul3A_1 = arith.constant 614400 : i32
    %mul3A_2 = arith.muli %add3A, %mul3A_1 : i32
    %add3A_3 = arith.constant 0 : i32
    %add3A_4 = arith.addi %mul3A_2, %add3A_3 : i32
    %add3A_5 = arith.constant 61440 : i32
    %add3A_6 = arith.addi %mul3A_2, %add3A_5 : i32
    %add3A_7 = arith.constant 122880 : i32
    %add3A_8 = arith.addi %mul3A_2, %add3A_7 : i32
    %add3A_9 = arith.constant 184320 : i32
    %add3A_10 = arith.addi %mul3A_2, %add3A_9 : i32
    %add3A_11 = arith.constant 245760 : i32
    %add3A_12 = arith.addi %mul3A_2, %add3A_11 : i32
    %add3A_13 = arith.constant 307200 : i32
    %add3A_14 = arith.addi %mul3A_2, %add3A_13 : i32
    %add3A_15 = arith.constant 368640 : i32
    %add3A_16 = arith.addi %mul3A_2, %add3A_15 : i32
    %add3A_17 = arith.constant 430080 : i32
    %add3A_18 = arith.addi %mul3A_2, %add3A_17 : i32
    %add3A_19 = arith.constant 491520 : i32
    %add3A_20 = arith.addi %mul3A_2, %add3A_19 : i32
    %add3A_21 = arith.constant 552960 : i32
    %add3A_22 = arith.addi %mul3A_2, %add3A_21 : i32
    %add3A_23 = arith.constant 0 : i32
    %add3A_24 = arith.addi %mul3A_2, %add3A_23 : i32
    %add3A_25 = arith.constant 61440 : i32
    %add3A_26 = arith.addi %mul3A_2, %add3A_25 : i32
    %add3A_27 = arith.constant 122880 : i32
    %add3A_28 = arith.addi %mul3A_2, %add3A_27 : i32
    %add3A_29 = arith.constant 184320 : i32
    %add3A_30 = arith.addi %mul3A_2, %add3A_29 : i32
    %add3A_31 = arith.constant 245760 : i32
    %add3A_32 = arith.addi %mul3A_2, %add3A_31 : i32
    %add3A_33 = arith.constant 307200 : i32
    %add3A_34 = arith.addi %mul3A_2, %add3A_33 : i32
    %add3A_35 = arith.constant 368640 : i32
    %add3A_36 = arith.addi %mul3A_2, %add3A_35 : i32
    %add3A_37 = arith.constant 430080 : i32
    %add3A_38 = arith.addi %mul3A_2, %add3A_37 : i32
    %add3A_39 = arith.constant 491520 : i32
    %add3A_40 = arith.addi %mul3A_2, %add3A_39 : i32
    %add3A_41 = arith.constant 552960 : i32
    %add3A_42 = arith.addi %mul3A_2, %add3A_41 : i32
    %dma_start3A = arith.constant 0 : i32
    %dma_start3A_43 = tpu.memref_slice %arg2[%add3A_4] : memref<19660800xf32, #tpu.memory_space<hbm>> -> memref<61440xf32, #tpu.memory_space<hbm>>
    %dma_start3A_44 = tpu.memref_slice %arg6[%dma_start3A] : memref<2x!tpu.dma_semaphore, #tpu.memory_space<semaphore_mem>> -> memref<1x!tpu.dma_semaphore, #tpu.memory_space<semaphore_mem>>
    %dma_start3A_45 = tpu.memref_squeeze %dma_start3A_44 : memref<1x!tpu.dma_semaphore, #tpu.memory_space<semaphore_mem>> -> memref<!tpu.dma_semaphore, #tpu.memory_space<semaphore_mem>>
    %dma_start3A_46 = tpu.memref_slice %arg2[%add3A_4] : memref<19660800xf32, #tpu.memory_space<hbm>> -> memref<61440xf32, #tpu.memory_space<hbm>>
    tpu.enqueue_dma source(%dma_start3A_46 : memref<61440xf32, #tpu.memory_space<hbm>>) target(%arg4 : memref<61440xf32, #tpu.memory_space<vmem>>) target_semaphore(%dma_start3A_45 : memref<!tpu.dma_semaphore, #tpu.memory_space<semaphore_mem>>)
    %dma_start3A_47 = arith.constant 1 : i32
    %dma_start3A_48 = tpu.memref_slice %arg2[%add3A_6] : memref<19660800xf32, #tpu.memory_space<hbm>> -> memref<61440xf32, #tpu.memory_space<hbm>>
    %dma_start3A_49 = tpu.memref_slice %arg6[%dma_start3A_47] : memref<2x!tpu.dma_semaphore, #tpu.memory_space<semaphore_mem>> -> memref<1x!tpu.dma_semaphore, #tpu.memory_space<semaphore_mem>>
    %dma_start3A_50 = tpu.memref_squeeze %dma_start3A_49 : memref<1x!tpu.dma_semaphore, #tpu.memory_space<semaphore_mem>> -> memref<!tpu.dma_semaphore, #tpu.memory_space<semaphore_mem>>
    %dma_start3A_51 = tpu.memref_slice %arg2[%add3A_6] : memref<19660800xf32, #tpu.memory_space<hbm>> -> memref<61440xf32, #tpu.memory_space<hbm>>
    tpu.enqueue_dma source(%dma_start3A_51 : memref<61440xf32, #tpu.memory_space<hbm>>) target(%arg5 : memref<61440xf32, #tpu.memory_space<vmem>>) target_semaphore(%dma_start3A_50 : memref<!tpu.dma_semaphore, #tpu.memory_space<semaphore_mem>>)
    %dma_wait3A = arith.constant 0 : i32
    %dma_wait3A_52 = tpu.memref_slice %arg2[%add3A_4] : memref<19660800xf32, #tpu.memory_space<hbm>> -> memref<61440xf32, #tpu.memory_space<hbm>>
    %dma_wait3A_53 = tpu.memref_slice %arg6[%dma_wait3A] : memref<2x!tpu.dma_semaphore, #tpu.memory_space<semaphore_mem>> -> memref<1x!tpu.dma_semaphore, #tpu.memory_space<semaphore_mem>>
    %dma_wait3A_54 = tpu.memref_squeeze %dma_wait3A_53 : memref<1x!tpu.dma_semaphore, #tpu.memory_space<semaphore_mem>> -> memref<!tpu.dma_semaphore, #tpu.memory_space<semaphore_mem>>
    %dma_wait3A_55 = tpu.memref_slice %arg2[%add3A_4] : memref<19660800xf32, #tpu.memory_space<hbm>> -> memref<61440xf32, #tpu.memory_space<hbm>>
    tpu.wait_dma2 semaphore(%dma_wait3A_54 : memref<!tpu.dma_semaphore, #tpu.memory_space<semaphore_mem>>) src(%dma_wait3A_55 : memref<61440xf32, #tpu.memory_space<hbm>>) dst(%arg4 : memref<61440xf32, #tpu.memory_space<vmem>>)
    %dma_start3A_56 = arith.constant 0 : i32
    %dma_start3A_57 = tpu.memref_slice %arg3[%add3A_24] : memref<19660800xf32, #tpu.memory_space<hbm>> -> memref<61440xf32, #tpu.memory_space<hbm>>
    %dma_start3A_58 = tpu.memref_slice %arg7[%dma_start3A_56] : memref<2x!tpu.dma_semaphore, #tpu.memory_space<semaphore_mem>> -> memref<1x!tpu.dma_semaphore, #tpu.memory_space<semaphore_mem>>
    %dma_start3A_59 = tpu.memref_squeeze %dma_start3A_58 : memref<1x!tpu.dma_semaphore, #tpu.memory_space<semaphore_mem>> -> memref<!tpu.dma_semaphore, #tpu.memory_space<semaphore_mem>>
    %dma_start3A_60 = tpu.memref_slice %arg3[%add3A_24] : memref<19660800xf32, #tpu.memory_space<hbm>> -> memref<61440xf32, #tpu.memory_space<hbm>>
    tpu.enqueue_dma source(%arg4 : memref<61440xf32, #tpu.memory_space<vmem>>) target(%dma_start3A_60 : memref<61440xf32, #tpu.memory_space<hbm>>) target_semaphore(%dma_start3A_59 : memref<!tpu.dma_semaphore, #tpu.memory_space<semaphore_mem>>)
    %dma_wait3A_61 = arith.constant 0 : i32
    %dma_wait3A_62 = tpu.memref_slice %arg3[%add3A_24] : memref<19660800xf32, #tpu.memory_space<hbm>> -> memref<61440xf32, #tpu.memory_space<hbm>>
    %dma_wait3A_63 = tpu.memref_slice %arg7[%dma_wait3A_61] : memref<2x!tpu.dma_semaphore, #tpu.memory_space<semaphore_mem>> -> memref<1x!tpu.dma_semaphore, #tpu.memory_space<semaphore_mem>>
    %dma_wait3A_64 = tpu.memref_squeeze %dma_wait3A_63 : memref<1x!tpu.dma_semaphore, #tpu.memory_space<semaphore_mem>> -> memref<!tpu.dma_semaphore, #tpu.memory_space<semaphore_mem>>
    %dma_wait3A_65 = tpu.memref_slice %arg3[%add3A_24] : memref<19660800xf32, #tpu.memory_space<hbm>> -> memref<61440xf32, #tpu.memory_space<hbm>>
    tpu.wait_dma2 semaphore(%dma_wait3A_64 : memref<!tpu.dma_semaphore, #tpu.memory_space<semaphore_mem>>) src(%arg4 : memref<61440xf32, #tpu.memory_space<vmem>>) dst(%dma_wait3A_65 : memref<61440xf32, #tpu.memory_space<hbm>>)
    %dma_start3A_66 = arith.constant 0 : i32
    %dma_start3A_67 = tpu.memref_slice %arg2[%add3A_8] : memref<19660800xf32, #tpu.memory_space<hbm>> -> memref<61440xf32, #tpu.memory_space<hbm>>
    %dma_start3A_68 = tpu.memref_slice %arg6[%dma_start3A_66] : memref<2x!tpu.dma_semaphore, #tpu.memory_space<semaphore_mem>> -> memref<1x!tpu.dma_semaphore, #tpu.memory_space<semaphore_mem>>
    %dma_start3A_69 = tpu.memref_squeeze %dma_start3A_68 : memref<1x!tpu.dma_semaphore, #tpu.memory_space<semaphore_mem>> -> memref<!tpu.dma_semaphore, #tpu.memory_space<semaphore_mem>>
    %dma_start3A_70 = tpu.memref_slice %arg2[%add3A_8] : memref<19660800xf32, #tpu.memory_space<hbm>> -> memref<61440xf32, #tpu.memory_space<hbm>>
    tpu.enqueue_dma source(%dma_start3A_70 : memref<61440xf32, #tpu.memory_space<hbm>>) target(%arg4 : memref<61440xf32, #tpu.memory_space<vmem>>) target_semaphore(%dma_start3A_69 : memref<!tpu.dma_semaphore, #tpu.memory_space<semaphore_mem>>)
    %dma_wait3A_71 = arith.constant 1 : i32
    %dma_wait3A_72 = tpu.memref_slice %arg2[%add3A_6] : memref<19660800xf32, #tpu.memory_space<hbm>> -> memref<61440xf32, #tpu.memory_space<hbm>>
    %dma_wait3A_73 = tpu.memref_slice %arg6[%dma_wait3A_71] : memref<2x!tpu.dma_semaphore, #tpu.memory_space<semaphore_mem>> -> memref<1x!tpu.dma_semaphore, #tpu.memory_space<semaphore_mem>>
    %dma_wait3A_74 = tpu.memref_squeeze %dma_wait3A_73 : memref<1x!tpu.dma_semaphore, #tpu.memory_space<semaphore_mem>> -> memref<!tpu.dma_semaphore, #tpu.memory_space<semaphore_mem>>
    %dma_wait3A_75 = tpu.memref_slice %arg2[%add3A_6] : memref<19660800xf32, #tpu.memory_space<hbm>> -> memref<61440xf32, #tpu.memory_space<hbm>>
    tpu.wait_dma2 semaphore(%dma_wait3A_74 : memref<!tpu.dma_semaphore, #tpu.memory_space<semaphore_mem>>) src(%dma_wait3A_75 : memref<61440xf32, #tpu.memory_space<hbm>>) dst(%arg5 : memref<61440xf32, #tpu.memory_space<vmem>>)
    %dma_start3A_76 = arith.constant 1 : i32
    %dma_start3A_77 = tpu.memref_slice %arg3[%add3A_26] : memref<19660800xf32, #tpu.memory_space<hbm>> -> memref<61440xf32, #tpu.memory_space<hbm>>
    %dma_start3A_78 = tpu.memref_slice %arg7[%dma_start3A_76] : memref<2x!tpu.dma_semaphore, #tpu.memory_space<semaphore_mem>> -> memref<1x!tpu.dma_semaphore, #tpu.memory_space<semaphore_mem>>
    %dma_start3A_79 = tpu.memref_squeeze %dma_start3A_78 : memref<1x!tpu.dma_semaphore, #tpu.memory_space<semaphore_mem>> -> memref<!tpu.dma_semaphore, #tpu.memory_space<semaphore_mem>>
    %dma_start3A_80 = tpu.memref_slice %arg3[%add3A_26] : memref<19660800xf32, #tpu.memory_space<hbm>> -> memref<61440xf32, #tpu.memory_space<hbm>>
    tpu.enqueue_dma source(%arg5 : memref<61440xf32, #tpu.memory_space<vmem>>) target(%dma_start3A_80 : memref<61440xf32, #tpu.memory_space<hbm>>) target_semaphore(%dma_start3A_79 : memref<!tpu.dma_semaphore, #tpu.memory_space<semaphore_mem>>)
    %dma_wait3A_81 = arith.constant 1 : i32
    %dma_wait3A_82 = tpu.memref_slice %arg3[%add3A_26] : memref<19660800xf32, #tpu.memory_space<hbm>> -> memref<61440xf32, #tpu.memory_space<hbm>>
    %dma_wait3A_83 = tpu.memref_slice %arg7[%dma_wait3A_81] : memref<2x!tpu.dma_semaphore, #tpu.memory_space<semaphore_mem>> -> memref<1x!tpu.dma_semaphore, #tpu.memory_space<semaphore_mem>>
    %dma_wait3A_84 = tpu.memref_squeeze %dma_wait3A_83 : memref<1x!tpu.dma_semaphore, #tpu.memory_space<semaphore_mem>> -> memref<!tpu.dma_semaphore, #tpu.memory_space<semaphore_mem>>
    %dma_wait3A_85 = tpu.memref_slice %arg3[%add3A_26] : memref<19660800xf32, #tpu.memory_space<hbm>> -> memref<61440xf32, #tpu.memory_space<hbm>>
    tpu.wait_dma2 semaphore(%dma_wait3A_84 : memref<!tpu.dma_semaphore, #tpu.memory_space<semaphore_mem>>) src(%arg5 : memref<61440xf32, #tpu.memory_space<vmem>>) dst(%dma_wait3A_85 : memref<61440xf32, #tpu.memory_space<hbm>>)
    %dma_start3A_86 = arith.constant 1 : i32
    %dma_start3A_87 = tpu.memref_slice %arg2[%add3A_10] : memref<19660800xf32, #tpu.memory_space<hbm>> -> memref<61440xf32, #tpu.memory_space<hbm>>
    %dma_start3A_88 = tpu.memref_slice %arg6[%dma_start3A_86] : memref<2x!tpu.dma_semaphore, #tpu.memory_space<semaphore_mem>> -> memref<1x!tpu.dma_semaphore, #tpu.memory_space<semaphore_mem>>
    %dma_start3A_89 = tpu.memref_squeeze %dma_start3A_88 : memref<1x!tpu.dma_semaphore, #tpu.memory_space<semaphore_mem>> -> memref<!tpu.dma_semaphore, #tpu.memory_space<semaphore_mem>>
    %dma_start3A_90 = tpu.memref_slice %arg2[%add3A_10] : memref<19660800xf32, #tpu.memory_space<hbm>> -> memref<61440xf32, #tpu.memory_space<hbm>>
    tpu.enqueue_dma source(%dma_start3A_90 : memref<61440xf32, #tpu.memory_space<hbm>>) target(%arg5 : memref<61440xf32, #tpu.memory_space<vmem>>) target_semaphore(%dma_start3A_89 : memref<!tpu.dma_semaphore, #tpu.memory_space<semaphore_mem>>)
    %dma_wait3A_91 = arith.constant 0 : i32
    %dma_wait3A_92 = tpu.memref_slice %arg2[%add3A_8] : memref<19660800xf32, #tpu.memory_space<hbm>> -> memref<61440xf32, #tpu.memory_space<hbm>>
    %dma_wait3A_93 = tpu.memref_slice %arg6[%dma_wait3A_91] : memref<2x!tpu.dma_semaphore, #tpu.memory_space<semaphore_mem>> -> memref<1x!tpu.dma_semaphore, #tpu.memory_space<semaphore_mem>>
    %dma_wait3A_94 = tpu.memref_squeeze %dma_wait3A_93 : memref<1x!tpu.dma_semaphore, #tpu.memory_space<semaphore_mem>> -> memref<!tpu.dma_semaphore, #tpu.memory_space<semaphore_mem>>
    %dma_wait3A_95 = tpu.memref_slice %arg2[%add3A_8] : memref<19660800xf32, #tpu.memory_space<hbm>> -> memref<61440xf32, #tpu.memory_space<hbm>>
    tpu.wait_dma2 semaphore(%dma_wait3A_94 : memref<!tpu.dma_semaphore, #tpu.memory_space<semaphore_mem>>) src(%dma_wait3A_95 : memref<61440xf32, #tpu.memory_space<hbm>>) dst(%arg4 : memref<61440xf32, #tpu.memory_space<vmem>>)
    %dma_start3A_96 = arith.constant 0 : i32
    %dma_start3A_97 = tpu.memref_slice %arg3[%add3A_28] : memref<19660800xf32, #tpu.memory_space<hbm>> -> memref<61440xf32, #tpu.memory_space<hbm>>
    %dma_start3A_98 = tpu.memref_slice %arg7[%dma_start3A_96] : memref<2x!tpu.dma_semaphore, #tpu.memory_space<semaphore_mem>> -> memref<1x!tpu.dma_semaphore, #tpu.memory_space<semaphore_mem>>
    %dma_start3A_99 = tpu.memref_squeeze %dma_start3A_98 : memref<1x!tpu.dma_semaphore, #tpu.memory_space<semaphore_mem>> -> memref<!tpu.dma_semaphore, #tpu.memory_space<semaphore_mem>>
    %dma_start3A_100 = tpu.memref_slice %arg3[%add3A_28] : memref<19660800xf32, #tpu.memory_space<hbm>> -> memref<61440xf32, #tpu.memory_space<hbm>>
    tpu.enqueue_dma source(%arg4 : memref<61440xf32, #tpu.memory_space<vmem>>) target(%dma_start3A_100 : memref<61440xf32, #tpu.memory_space<hbm>>) target_semaphore(%dma_start3A_99 : memref<!tpu.dma_semaphore, #tpu.memory_space<semaphore_mem>>)
    %dma_wait3A_101 = arith.constant 0 : i32
    %dma_wait3A_102 = tpu.memref_slice %arg3[%add3A_28] : memref<19660800xf32, #tpu.memory_space<hbm>> -> memref<61440xf32, #tpu.memory_space<hbm>>
    %dma_wait3A_103 = tpu.memref_slice %arg7[%dma_wait3A_101] : memref<2x!tpu.dma_semaphore, #tpu.memory_space<semaphore_mem>> -> memref<1x!tpu.dma_semaphore, #tpu.memory_space<semaphore_mem>>
    %dma_wait3A_104 = tpu.memref_squeeze %dma_wait3A_103 : memref<1x!tpu.dma_semaphore, #tpu.memory_space<semaphore_mem>> -> memref<!tpu.dma_semaphore, #tpu.memory_space<semaphore_mem>>
    %dma_wait3A_105 = tpu.memref_slice %arg3[%add3A_28] : memref<19660800xf32, #tpu.memory_space<hbm>> -> memref<61440xf32, #tpu.memory_space<hbm>>
    tpu.wait_dma2 semaphore(%dma_wait3A_104 : memref<!tpu.dma_semaphore, #tpu.memory_space<semaphore_mem>>) src(%arg4 : memref<61440xf32, #tpu.memory_space<vmem>>) dst(%dma_wait3A_105 : memref<61440xf32, #tpu.memory_space<hbm>>)
    %dma_start3A_106 = arith.constant 0 : i32
    %dma_start3A_107 = tpu.memref_slice %arg2[%add3A_12] : memref<19660800xf32, #tpu.memory_space<hbm>> -> memref<61440xf32, #tpu.memory_space<hbm>>
    %dma_start3A_108 = tpu.memref_slice %arg6[%dma_start3A_106] : memref<2x!tpu.dma_semaphore, #tpu.memory_space<semaphore_mem>> -> memref<1x!tpu.dma_semaphore, #tpu.memory_space<semaphore_mem>>
    %dma_start3A_109 = tpu.memref_squeeze %dma_start3A_108 : memref<1x!tpu.dma_semaphore, #tpu.memory_space<semaphore_mem>> -> memref<!tpu.dma_semaphore, #tpu.memory_space<semaphore_mem>>
    %dma_start3A_110 = tpu.memref_slice %arg2[%add3A_12] : memref<19660800xf32, #tpu.memory_space<hbm>> -> memref<61440xf32, #tpu.memory_space<hbm>>
    tpu.enqueue_dma source(%dma_start3A_110 : memref<61440xf32, #tpu.memory_space<hbm>>) target(%arg4 : memref<61440xf32, #tpu.memory_space<vmem>>) target_semaphore(%dma_start3A_109 : memref<!tpu.dma_semaphore, #tpu.memory_space<semaphore_mem>>)
    %dma_wait3A_111 = arith.constant 1 : i32
    %dma_wait3A_112 = tpu.memref_slice %arg2[%add3A_10] : memref<19660800xf32, #tpu.memory_space<hbm>> -> memref<61440xf32, #tpu.memory_space<hbm>>
    %dma_wait3A_113 = tpu.memref_slice %arg6[%dma_wait3A_111] : memref<2x!tpu.dma_semaphore, #tpu.memory_space<semaphore_mem>> -> memref<1x!tpu.dma_semaphore, #tpu.memory_space<semaphore_mem>>
    %dma_wait3A_114 = tpu.memref_squeeze %dma_wait3A_113 : memref<1x!tpu.dma_semaphore, #tpu.memory_space<semaphore_mem>> -> memref<!tpu.dma_semaphore, #tpu.memory_space<semaphore_mem>>
    %dma_wait3A_115 = tpu.memref_slice %arg2[%add3A_10] : memref<19660800xf32, #tpu.memory_space<hbm>> -> memref<61440xf32, #tpu.memory_space<hbm>>
    tpu.wait_dma2 semaphore(%dma_wait3A_114 : memref<!tpu.dma_semaphore, #tpu.memory_space<semaphore_mem>>) src(%dma_wait3A_115 : memref<61440xf32, #tpu.memory_space<hbm>>) dst(%arg5 : memref<61440xf32, #tpu.memory_space<vmem>>)
    %dma_start3A_116 = arith.constant 1 : i32
    %dma_start3A_117 = tpu.memref_slice %arg3[%add3A_30] : memref<19660800xf32, #tpu.memory_space<hbm>> -> memref<61440xf32, #tpu.memory_space<hbm>>
    %dma_start3A_118 = tpu.memref_slice %arg7[%dma_start3A_116] : memref<2x!tpu.dma_semaphore, #tpu.memory_space<semaphore_mem>> -> memref<1x!tpu.dma_semaphore, #tpu.memory_space<semaphore_mem>>
    %dma_start3A_119 = tpu.memref_squeeze %dma_start3A_118 : memref<1x!tpu.dma_semaphore, #tpu.memory_space<semaphore_mem>> -> memref<!tpu.dma_semaphore, #tpu.memory_space<semaphore_mem>>
    %dma_start3A_120 = tpu.memref_slice %arg3[%add3A_30] : memref<19660800xf32, #tpu.memory_space<hbm>> -> memref<61440xf32, #tpu.memory_space<hbm>>
    tpu.enqueue_dma source(%arg5 : memref<61440xf32, #tpu.memory_space<vmem>>) target(%dma_start3A_120 : memref<61440xf32, #tpu.memory_space<hbm>>) target_semaphore(%dma_start3A_119 : memref<!tpu.dma_semaphore, #tpu.memory_space<semaphore_mem>>)
    %dma_wait3A_121 = arith.constant 1 : i32
    %dma_wait3A_122 = tpu.memref_slice %arg3[%add3A_30] : memref<19660800xf32, #tpu.memory_space<hbm>> -> memref<61440xf32, #tpu.memory_space<hbm>>
    %dma_wait3A_123 = tpu.memref_slice %arg7[%dma_wait3A_121] : memref<2x!tpu.dma_semaphore, #tpu.memory_space<semaphore_mem>> -> memref<1x!tpu.dma_semaphore, #tpu.memory_space<semaphore_mem>>
    %dma_wait3A_124 = tpu.memref_squeeze %dma_wait3A_123 : memref<1x!tpu.dma_semaphore, #tpu.memory_space<semaphore_mem>> -> memref<!tpu.dma_semaphore, #tpu.memory_space<semaphore_mem>>
    %dma_wait3A_125 = tpu.memref_slice %arg3[%add3A_30] : memref<19660800xf32, #tpu.memory_space<hbm>> -> memref<61440xf32, #tpu.memory_space<hbm>>
    tpu.wait_dma2 semaphore(%dma_wait3A_124 : memref<!tpu.dma_semaphore, #tpu.memory_space<semaphore_mem>>) src(%arg5 : memref<61440xf32, #tpu.memory_space<vmem>>) dst(%dma_wait3A_125 : memref<61440xf32, #tpu.memory_space<hbm>>)
    %dma_start3A_126 = arith.constant 1 : i32
    %dma_start3A_127 = tpu.memref_slice %arg2[%add3A_14] : memref<19660800xf32, #tpu.memory_space<hbm>> -> memref<61440xf32, #tpu.memory_space<hbm>>
    %dma_start3A_128 = tpu.memref_slice %arg6[%dma_start3A_126] : memref<2x!tpu.dma_semaphore, #tpu.memory_space<semaphore_mem>> -> memref<1x!tpu.dma_semaphore, #tpu.memory_space<semaphore_mem>>
    %dma_start3A_129 = tpu.memref_squeeze %dma_start3A_128 : memref<1x!tpu.dma_semaphore, #tpu.memory_space<semaphore_mem>> -> memref<!tpu.dma_semaphore, #tpu.memory_space<semaphore_mem>>
    %dma_start3A_130 = tpu.memref_slice %arg2[%add3A_14] : memref<19660800xf32, #tpu.memory_space<hbm>> -> memref<61440xf32, #tpu.memory_space<hbm>>
    tpu.enqueue_dma source(%dma_start3A_130 : memref<61440xf32, #tpu.memory_space<hbm>>) target(%arg5 : memref<61440xf32, #tpu.memory_space<vmem>>) target_semaphore(%dma_start3A_129 : memref<!tpu.dma_semaphore, #tpu.memory_space<semaphore_mem>>)
    %dma_wait3A_131 = arith.constant 0 : i32
    %dma_wait3A_132 = tpu.memref_slice %arg2[%add3A_12] : memref<19660800xf32, #tpu.memory_space<hbm>> -> memref<61440xf32, #tpu.memory_space<hbm>>
    %dma_wait3A_133 = tpu.memref_slice %arg6[%dma_wait3A_131] : memref<2x!tpu.dma_semaphore, #tpu.memory_space<semaphore_mem>> -> memref<1x!tpu.dma_semaphore, #tpu.memory_space<semaphore_mem>>
    %dma_wait3A_134 = tpu.memref_squeeze %dma_wait3A_133 : memref<1x!tpu.dma_semaphore, #tpu.memory_space<semaphore_mem>> -> memref<!tpu.dma_semaphore, #tpu.memory_space<semaphore_mem>>
    %dma_wait3A_135 = tpu.memref_slice %arg2[%add3A_12] : memref<19660800xf32, #tpu.memory_space<hbm>> -> memref<61440xf32, #tpu.memory_space<hbm>>
    tpu.wait_dma2 semaphore(%dma_wait3A_134 : memref<!tpu.dma_semaphore, #tpu.memory_space<semaphore_mem>>) src(%dma_wait3A_135 : memref<61440xf32, #tpu.memory_space<hbm>>) dst(%arg4 : memref<61440xf32, #tpu.memory_space<vmem>>)
    %dma_start3A_136 = arith.constant 0 : i32
    %dma_start3A_137 = tpu.memref_slice %arg3[%add3A_32] : memref<19660800xf32, #tpu.memory_space<hbm>> -> memref<61440xf32, #tpu.memory_space<hbm>>
    %dma_start3A_138 = tpu.memref_slice %arg7[%dma_start3A_136] : memref<2x!tpu.dma_semaphore, #tpu.memory_space<semaphore_mem>> -> memref<1x!tpu.dma_semaphore, #tpu.memory_space<semaphore_mem>>
    %dma_start3A_139 = tpu.memref_squeeze %dma_start3A_138 : memref<1x!tpu.dma_semaphore, #tpu.memory_space<semaphore_mem>> -> memref<!tpu.dma_semaphore, #tpu.memory_space<semaphore_mem>>
    %dma_start3A_140 = tpu.memref_slice %arg3[%add3A_32] : memref<19660800xf32, #tpu.memory_space<hbm>> -> memref<61440xf32, #tpu.memory_space<hbm>>
    tpu.enqueue_dma source(%arg4 : memref<61440xf32, #tpu.memory_space<vmem>>) target(%dma_start3A_140 : memref<61440xf32, #tpu.memory_space<hbm>>) target_semaphore(%dma_start3A_139 : memref<!tpu.dma_semaphore, #tpu.memory_space<semaphore_mem>>)
    %dma_wait3A_141 = arith.constant 0 : i32
    %dma_wait3A_142 = tpu.memref_slice %arg3[%add3A_32] : memref<19660800xf32, #tpu.memory_space<hbm>> -> memref<61440xf32, #tpu.memory_space<hbm>>
    %dma_wait3A_143 = tpu.memref_slice %arg7[%dma_wait3A_141] : memref<2x!tpu.dma_semaphore, #tpu.memory_space<semaphore_mem>> -> memref<1x!tpu.dma_semaphore, #tpu.memory_space<semaphore_mem>>
    %dma_wait3A_144 = tpu.memref_squeeze %dma_wait3A_143 : memref<1x!tpu.dma_semaphore, #tpu.memory_space<semaphore_mem>> -> memref<!tpu.dma_semaphore, #tpu.memory_space<semaphore_mem>>
    %dma_wait3A_145 = tpu.memref_slice %arg3[%add3A_32] : memref<19660800xf32, #tpu.memory_space<hbm>> -> memref<61440xf32, #tpu.memory_space<hbm>>
    tpu.wait_dma2 semaphore(%dma_wait3A_144 : memref<!tpu.dma_semaphore, #tpu.memory_space<semaphore_mem>>) src(%arg4 : memref<61440xf32, #tpu.memory_space<vmem>>) dst(%dma_wait3A_145 : memref<61440xf32, #tpu.memory_space<hbm>>)
    %dma_start3A_146 = arith.constant 0 : i32
    %dma_start3A_147 = tpu.memref_slice %arg2[%add3A_16] : memref<19660800xf32, #tpu.memory_space<hbm>> -> memref<61440xf32, #tpu.memory_space<hbm>>
    %dma_start3A_148 = tpu.memref_slice %arg6[%dma_start3A_146] : memref<2x!tpu.dma_semaphore, #tpu.memory_space<semaphore_mem>> -> memref<1x!tpu.dma_semaphore, #tpu.memory_space<semaphore_mem>>
    %dma_start3A_149 = tpu.memref_squeeze %dma_start3A_148 : memref<1x!tpu.dma_semaphore, #tpu.memory_space<semaphore_mem>> -> memref<!tpu.dma_semaphore, #tpu.memory_space<semaphore_mem>>
    %dma_start3A_150 = tpu.memref_slice %arg2[%add3A_16] : memref<19660800xf32, #tpu.memory_space<hbm>> -> memref<61440xf32, #tpu.memory_space<hbm>>
    tpu.enqueue_dma source(%dma_start3A_150 : memref<61440xf32, #tpu.memory_space<hbm>>) target(%arg4 : memref<61440xf32, #tpu.memory_space<vmem>>) target_semaphore(%dma_start3A_149 : memref<!tpu.dma_semaphore, #tpu.memory_space<semaphore_mem>>)
    %dma_wait3A_151 = arith.constant 1 : i32
    %dma_wait3A_152 = tpu.memref_slice %arg2[%add3A_14] : memref<19660800xf32, #tpu.memory_space<hbm>> -> memref<61440xf32, #tpu.memory_space<hbm>>
    %dma_wait3A_153 = tpu.memref_slice %arg6[%dma_wait3A_151] : memref<2x!tpu.dma_semaphore, #tpu.memory_space<semaphore_mem>> -> memref<1x!tpu.dma_semaphore, #tpu.memory_space<semaphore_mem>>
    %dma_wait3A_154 = tpu.memref_squeeze %dma_wait3A_153 : memref<1x!tpu.dma_semaphore, #tpu.memory_space<semaphore_mem>> -> memref<!tpu.dma_semaphore, #tpu.memory_space<semaphore_mem>>
    %dma_wait3A_155 = tpu.memref_slice %arg2[%add3A_14] : memref<19660800xf32, #tpu.memory_space<hbm>> -> memref<61440xf32, #tpu.memory_space<hbm>>
    tpu.wait_dma2 semaphore(%dma_wait3A_154 : memref<!tpu.dma_semaphore, #tpu.memory_space<semaphore_mem>>) src(%dma_wait3A_155 : memref<61440xf32, #tpu.memory_space<hbm>>) dst(%arg5 : memref<61440xf32, #tpu.memory_space<vmem>>)
    %dma_start3A_156 = arith.constant 1 : i32
    %dma_start3A_157 = tpu.memref_slice %arg3[%add3A_34] : memref<19660800xf32, #tpu.memory_space<hbm>> -> memref<61440xf32, #tpu.memory_space<hbm>>
    %dma_start3A_158 = tpu.memref_slice %arg7[%dma_start3A_156] : memref<2x!tpu.dma_semaphore, #tpu.memory_space<semaphore_mem>> -> memref<1x!tpu.dma_semaphore, #tpu.memory_space<semaphore_mem>>
    %dma_start3A_159 = tpu.memref_squeeze %dma_start3A_158 : memref<1x!tpu.dma_semaphore, #tpu.memory_space<semaphore_mem>> -> memref<!tpu.dma_semaphore, #tpu.memory_space<semaphore_mem>>
    %dma_start3A_160 = tpu.memref_slice %arg3[%add3A_34] : memref<19660800xf32, #tpu.memory_space<hbm>> -> memref<61440xf32, #tpu.memory_space<hbm>>
    tpu.enqueue_dma source(%arg5 : memref<61440xf32, #tpu.memory_space<vmem>>) target(%dma_start3A_160 : memref<61440xf32, #tpu.memory_space<hbm>>) target_semaphore(%dma_start3A_159 : memref<!tpu.dma_semaphore, #tpu.memory_space<semaphore_mem>>)
    %dma_wait3A_161 = arith.constant 1 : i32
    %dma_wait3A_162 = tpu.memref_slice %arg3[%add3A_34] : memref<19660800xf32, #tpu.memory_space<hbm>> -> memref<61440xf32, #tpu.memory_space<hbm>>
    %dma_wait3A_163 = tpu.memref_slice %arg7[%dma_wait3A_161] : memref<2x!tpu.dma_semaphore, #tpu.memory_space<semaphore_mem>> -> memref<1x!tpu.dma_semaphore, #tpu.memory_space<semaphore_mem>>
    %dma_wait3A_164 = tpu.memref_squeeze %dma_wait3A_163 : memref<1x!tpu.dma_semaphore, #tpu.memory_space<semaphore_mem>> -> memref<!tpu.dma_semaphore, #tpu.memory_space<semaphore_mem>>
    %dma_wait3A_165 = tpu.memref_slice %arg3[%add3A_34] : memref<19660800xf32, #tpu.memory_space<hbm>> -> memref<61440xf32, #tpu.memory_space<hbm>>
    tpu.wait_dma2 semaphore(%dma_wait3A_164 : memref<!tpu.dma_semaphore, #tpu.memory_space<semaphore_mem>>) src(%arg5 : memref<61440xf32, #tpu.memory_space<vmem>>) dst(%dma_wait3A_165 : memref<61440xf32, #tpu.memory_space<hbm>>)
    %dma_start3A_166 = arith.constant 1 : i32
    %dma_start3A_167 = tpu.memref_slice %arg2[%add3A_18] : memref<19660800xf32, #tpu.memory_space<hbm>> -> memref<61440xf32, #tpu.memory_space<hbm>>
    %dma_start3A_168 = tpu.memref_slice %arg6[%dma_start3A_166] : memref<2x!tpu.dma_semaphore, #tpu.memory_space<semaphore_mem>> -> memref<1x!tpu.dma_semaphore, #tpu.memory_space<semaphore_mem>>
    %dma_start3A_169 = tpu.memref_squeeze %dma_start3A_168 : memref<1x!tpu.dma_semaphore, #tpu.memory_space<semaphore_mem>> -> memref<!tpu.dma_semaphore, #tpu.memory_space<semaphore_mem>>
    %dma_start3A_170 = tpu.memref_slice %arg2[%add3A_18] : memref<19660800xf32, #tpu.memory_space<hbm>> -> memref<61440xf32, #tpu.memory_space<hbm>>
    tpu.enqueue_dma source(%dma_start3A_170 : memref<61440xf32, #tpu.memory_space<hbm>>) target(%arg5 : memref<61440xf32, #tpu.memory_space<vmem>>) target_semaphore(%dma_start3A_169 : memref<!tpu.dma_semaphore, #tpu.memory_space<semaphore_mem>>)
    %dma_wait3A_171 = arith.constant 0 : i32
    %dma_wait3A_172 = tpu.memref_slice %arg2[%add3A_16] : memref<19660800xf32, #tpu.memory_space<hbm>> -> memref<61440xf32, #tpu.memory_space<hbm>>
    %dma_wait3A_173 = tpu.memref_slice %arg6[%dma_wait3A_171] : memref<2x!tpu.dma_semaphore, #tpu.memory_space<semaphore_mem>> -> memref<1x!tpu.dma_semaphore, #tpu.memory_space<semaphore_mem>>
    %dma_wait3A_174 = tpu.memref_squeeze %dma_wait3A_173 : memref<1x!tpu.dma_semaphore, #tpu.memory_space<semaphore_mem>> -> memref<!tpu.dma_semaphore, #tpu.memory_space<semaphore_mem>>
    %dma_wait3A_175 = tpu.memref_slice %arg2[%add3A_16] : memref<19660800xf32, #tpu.memory_space<hbm>> -> memref<61440xf32, #tpu.memory_space<hbm>>
    tpu.wait_dma2 semaphore(%dma_wait3A_174 : memref<!tpu.dma_semaphore, #tpu.memory_space<semaphore_mem>>) src(%dma_wait3A_175 : memref<61440xf32, #tpu.memory_space<hbm>>) dst(%arg4 : memref<61440xf32, #tpu.memory_space<vmem>>)
    %dma_start3A_176 = arith.constant 0 : i32
    %dma_start3A_177 = tpu.memref_slice %arg3[%add3A_36] : memref<19660800xf32, #tpu.memory_space<hbm>> -> memref<61440xf32, #tpu.memory_space<hbm>>
    %dma_start3A_178 = tpu.memref_slice %arg7[%dma_start3A_176] : memref<2x!tpu.dma_semaphore, #tpu.memory_space<semaphore_mem>> -> memref<1x!tpu.dma_semaphore, #tpu.memory_space<semaphore_mem>>
    %dma_start3A_179 = tpu.memref_squeeze %dma_start3A_178 : memref<1x!tpu.dma_semaphore, #tpu.memory_space<semaphore_mem>> -> memref<!tpu.dma_semaphore, #tpu.memory_space<semaphore_mem>>
    %dma_start3A_180 = tpu.memref_slice %arg3[%add3A_36] : memref<19660800xf32, #tpu.memory_space<hbm>> -> memref<61440xf32, #tpu.memory_space<hbm>>
    tpu.enqueue_dma source(%arg4 : memref<61440xf32, #tpu.memory_space<vmem>>) target(%dma_start3A_180 : memref<61440xf32, #tpu.memory_space<hbm>>) target_semaphore(%dma_start3A_179 : memref<!tpu.dma_semaphore, #tpu.memory_space<semaphore_mem>>)
    %dma_wait3A_181 = arith.constant 0 : i32
    %dma_wait3A_182 = tpu.memref_slice %arg3[%add3A_36] : memref<19660800xf32, #tpu.memory_space<hbm>> -> memref<61440xf32, #tpu.memory_space<hbm>>
    %dma_wait3A_183 = tpu.memref_slice %arg7[%dma_wait3A_181] : memref<2x!tpu.dma_semaphore, #tpu.memory_space<semaphore_mem>> -> memref<1x!tpu.dma_semaphore, #tpu.memory_space<semaphore_mem>>
    %dma_wait3A_184 = tpu.memref_squeeze %dma_wait3A_183 : memref<1x!tpu.dma_semaphore, #tpu.memory_space<semaphore_mem>> -> memref<!tpu.dma_semaphore, #tpu.memory_space<semaphore_mem>>
    %dma_wait3A_185 = tpu.memref_slice %arg3[%add3A_36] : memref<19660800xf32, #tpu.memory_space<hbm>> -> memref<61440xf32, #tpu.memory_space<hbm>>
    tpu.wait_dma2 semaphore(%dma_wait3A_184 : memref<!tpu.dma_semaphore, #tpu.memory_space<semaphore_mem>>) src(%arg4 : memref<61440xf32, #tpu.memory_space<vmem>>) dst(%dma_wait3A_185 : memref<61440xf32, #tpu.memory_space<hbm>>)
    %dma_start3A_186 = arith.constant 0 : i32
    %dma_start3A_187 = tpu.memref_slice %arg2[%add3A_20] : memref<19660800xf32, #tpu.memory_space<hbm>> -> memref<61440xf32, #tpu.memory_space<hbm>>
    %dma_start3A_188 = tpu.memref_slice %arg6[%dma_start3A_186] : memref<2x!tpu.dma_semaphore, #tpu.memory_space<semaphore_mem>> -> memref<1x!tpu.dma_semaphore, #tpu.memory_space<semaphore_mem>>
    %dma_start3A_189 = tpu.memref_squeeze %dma_start3A_188 : memref<1x!tpu.dma_semaphore, #tpu.memory_space<semaphore_mem>> -> memref<!tpu.dma_semaphore, #tpu.memory_space<semaphore_mem>>
    %dma_start3A_190 = tpu.memref_slice %arg2[%add3A_20] : memref<19660800xf32, #tpu.memory_space<hbm>> -> memref<61440xf32, #tpu.memory_space<hbm>>
    tpu.enqueue_dma source(%dma_start3A_190 : memref<61440xf32, #tpu.memory_space<hbm>>) target(%arg4 : memref<61440xf32, #tpu.memory_space<vmem>>) target_semaphore(%dma_start3A_189 : memref<!tpu.dma_semaphore, #tpu.memory_space<semaphore_mem>>)
    %dma_wait3A_191 = arith.constant 1 : i32
    %dma_wait3A_192 = tpu.memref_slice %arg2[%add3A_18] : memref<19660800xf32, #tpu.memory_space<hbm>> -> memref<61440xf32, #tpu.memory_space<hbm>>
    %dma_wait3A_193 = tpu.memref_slice %arg6[%dma_wait3A_191] : memref<2x!tpu.dma_semaphore, #tpu.memory_space<semaphore_mem>> -> memref<1x!tpu.dma_semaphore, #tpu.memory_space<semaphore_mem>>
    %dma_wait3A_194 = tpu.memref_squeeze %dma_wait3A_193 : memref<1x!tpu.dma_semaphore, #tpu.memory_space<semaphore_mem>> -> memref<!tpu.dma_semaphore, #tpu.memory_space<semaphore_mem>>
    %dma_wait3A_195 = tpu.memref_slice %arg2[%add3A_18] : memref<19660800xf32, #tpu.memory_space<hbm>> -> memref<61440xf32, #tpu.memory_space<hbm>>
    tpu.wait_dma2 semaphore(%dma_wait3A_194 : memref<!tpu.dma_semaphore, #tpu.memory_space<semaphore_mem>>) src(%dma_wait3A_195 : memref<61440xf32, #tpu.memory_space<hbm>>) dst(%arg5 : memref<61440xf32, #tpu.memory_space<vmem>>)
    %dma_start3A_196 = arith.constant 1 : i32
    %dma_start3A_197 = tpu.memref_slice %arg3[%add3A_38] : memref<19660800xf32, #tpu.memory_space<hbm>> -> memref<61440xf32, #tpu.memory_space<hbm>>
    %dma_start3A_198 = tpu.memref_slice %arg7[%dma_start3A_196] : memref<2x!tpu.dma_semaphore, #tpu.memory_space<semaphore_mem>> -> memref<1x!tpu.dma_semaphore, #tpu.memory_space<semaphore_mem>>
    %dma_start3A_199 = tpu.memref_squeeze %dma_start3A_198 : memref<1x!tpu.dma_semaphore, #tpu.memory_space<semaphore_mem>> -> memref<!tpu.dma_semaphore, #tpu.memory_space<semaphore_mem>>
    %dma_start3A_200 = tpu.memref_slice %arg3[%add3A_38] : memref<19660800xf32, #tpu.memory_space<hbm>> -> memref<61440xf32, #tpu.memory_space<hbm>>
    tpu.enqueue_dma source(%arg5 : memref<61440xf32, #tpu.memory_space<vmem>>) target(%dma_start3A_200 : memref<61440xf32, #tpu.memory_space<hbm>>) target_semaphore(%dma_start3A_199 : memref<!tpu.dma_semaphore, #tpu.memory_space<semaphore_mem>>)
    %dma_wait3A_201 = arith.constant 1 : i32
    %dma_wait3A_202 = tpu.memref_slice %arg3[%add3A_38] : memref<19660800xf32, #tpu.memory_space<hbm>> -> memref<61440xf32, #tpu.memory_space<hbm>>
    %dma_wait3A_203 = tpu.memref_slice %arg7[%dma_wait3A_201] : memref<2x!tpu.dma_semaphore, #tpu.memory_space<semaphore_mem>> -> memref<1x!tpu.dma_semaphore, #tpu.memory_space<semaphore_mem>>
    %dma_wait3A_204 = tpu.memref_squeeze %dma_wait3A_203 : memref<1x!tpu.dma_semaphore, #tpu.memory_space<semaphore_mem>> -> memref<!tpu.dma_semaphore, #tpu.memory_space<semaphore_mem>>
    %dma_wait3A_205 = tpu.memref_slice %arg3[%add3A_38] : memref<19660800xf32, #tpu.memory_space<hbm>> -> memref<61440xf32, #tpu.memory_space<hbm>>
    tpu.wait_dma2 semaphore(%dma_wait3A_204 : memref<!tpu.dma_semaphore, #tpu.memory_space<semaphore_mem>>) src(%arg5 : memref<61440xf32, #tpu.memory_space<vmem>>) dst(%dma_wait3A_205 : memref<61440xf32, #tpu.memory_space<hbm>>)
    %dma_start3A_206 = arith.constant 1 : i32
    %dma_start3A_207 = tpu.memref_slice %arg2[%add3A_22] : memref<19660800xf32, #tpu.memory_space<hbm>> -> memref<61440xf32, #tpu.memory_space<hbm>>
    %dma_start3A_208 = tpu.memref_slice %arg6[%dma_start3A_206] : memref<2x!tpu.dma_semaphore, #tpu.memory_space<semaphore_mem>> -> memref<1x!tpu.dma_semaphore, #tpu.memory_space<semaphore_mem>>
    %dma_start3A_209 = tpu.memref_squeeze %dma_start3A_208 : memref<1x!tpu.dma_semaphore, #tpu.memory_space<semaphore_mem>> -> memref<!tpu.dma_semaphore, #tpu.memory_space<semaphore_mem>>
    %dma_start3A_210 = tpu.memref_slice %arg2[%add3A_22] : memref<19660800xf32, #tpu.memory_space<hbm>> -> memref<61440xf32, #tpu.memory_space<hbm>>
    tpu.enqueue_dma source(%dma_start3A_210 : memref<61440xf32, #tpu.memory_space<hbm>>) target(%arg5 : memref<61440xf32, #tpu.memory_space<vmem>>) target_semaphore(%dma_start3A_209 : memref<!tpu.dma_semaphore, #tpu.memory_space<semaphore_mem>>)
    %dma_wait3A_211 = arith.constant 0 : i32
    %dma_wait3A_212 = tpu.memref_slice %arg2[%add3A_20] : memref<19660800xf32, #tpu.memory_space<hbm>> -> memref<61440xf32, #tpu.memory_space<hbm>>
    %dma_wait3A_213 = tpu.memref_slice %arg6[%dma_wait3A_211] : memref<2x!tpu.dma_semaphore, #tpu.memory_space<semaphore_mem>> -> memref<1x!tpu.dma_semaphore, #tpu.memory_space<semaphore_mem>>
    %dma_wait3A_214 = tpu.memref_squeeze %dma_wait3A_213 : memref<1x!tpu.dma_semaphore, #tpu.memory_space<semaphore_mem>> -> memref<!tpu.dma_semaphore, #tpu.memory_space<semaphore_mem>>
    %dma_wait3A_215 = tpu.memref_slice %arg2[%add3A_20] : memref<19660800xf32, #tpu.memory_space<hbm>> -> memref<61440xf32, #tpu.memory_space<hbm>>
    tpu.wait_dma2 semaphore(%dma_wait3A_214 : memref<!tpu.dma_semaphore, #tpu.memory_space<semaphore_mem>>) src(%dma_wait3A_215 : memref<61440xf32, #tpu.memory_space<hbm>>) dst(%arg4 : memref<61440xf32, #tpu.memory_space<vmem>>)
    %dma_start3A_216 = arith.constant 0 : i32
    %dma_start3A_217 = tpu.memref_slice %arg3[%add3A_40] : memref<19660800xf32, #tpu.memory_space<hbm>> -> memref<61440xf32, #tpu.memory_space<hbm>>
    %dma_start3A_218 = tpu.memref_slice %arg7[%dma_start3A_216] : memref<2x!tpu.dma_semaphore, #tpu.memory_space<semaphore_mem>> -> memref<1x!tpu.dma_semaphore, #tpu.memory_space<semaphore_mem>>
    %dma_start3A_219 = tpu.memref_squeeze %dma_start3A_218 : memref<1x!tpu.dma_semaphore, #tpu.memory_space<semaphore_mem>> -> memref<!tpu.dma_semaphore, #tpu.memory_space<semaphore_mem>>
    %dma_start3A_220 = tpu.memref_slice %arg3[%add3A_40] : memref<19660800xf32, #tpu.memory_space<hbm>> -> memref<61440xf32, #tpu.memory_space<hbm>>
    tpu.enqueue_dma source(%arg4 : memref<61440xf32, #tpu.memory_space<vmem>>) target(%dma_start3A_220 : memref<61440xf32, #tpu.memory_space<hbm>>) target_semaphore(%dma_start3A_219 : memref<!tpu.dma_semaphore, #tpu.memory_space<semaphore_mem>>)
    %dma_wait3A_221 = arith.constant 1 : i32
    %dma_wait3A_222 = tpu.memref_slice %arg2[%add3A_22] : memref<19660800xf32, #tpu.memory_space<hbm>> -> memref<61440xf32, #tpu.memory_space<hbm>>
    %dma_wait3A_223 = tpu.memref_slice %arg6[%dma_wait3A_221] : memref<2x!tpu.dma_semaphore, #tpu.memory_space<semaphore_mem>> -> memref<1x!tpu.dma_semaphore, #tpu.memory_space<semaphore_mem>>
    %dma_wait3A_224 = tpu.memref_squeeze %dma_wait3A_223 : memref<1x!tpu.dma_semaphore, #tpu.memory_space<semaphore_mem>> -> memref<!tpu.dma_semaphore, #tpu.memory_space<semaphore_mem>>
    %dma_wait3A_225 = tpu.memref_slice %arg2[%add3A_22] : memref<19660800xf32, #tpu.memory_space<hbm>> -> memref<61440xf32, #tpu.memory_space<hbm>>
    tpu.wait_dma2 semaphore(%dma_wait3A_224 : memref<!tpu.dma_semaphore, #tpu.memory_space<semaphore_mem>>) src(%dma_wait3A_225 : memref<61440xf32, #tpu.memory_space<hbm>>) dst(%arg5 : memref<61440xf32, #tpu.memory_space<vmem>>)
    %dma_start3A_226 = arith.constant 1 : i32
    %dma_start3A_227 = tpu.memref_slice %arg3[%add3A_42] : memref<19660800xf32, #tpu.memory_space<hbm>> -> memref<61440xf32, #tpu.memory_space<hbm>>
    %dma_start3A_228 = tpu.memref_slice %arg7[%dma_start3A_226] : memref<2x!tpu.dma_semaphore, #tpu.memory_space<semaphore_mem>> -> memref<1x!tpu.dma_semaphore, #tpu.memory_space<semaphore_mem>>
    %dma_start3A_229 = tpu.memref_squeeze %dma_start3A_228 : memref<1x!tpu.dma_semaphore, #tpu.memory_space<semaphore_mem>> -> memref<!tpu.dma_semaphore, #tpu.memory_space<semaphore_mem>>
    %dma_start3A_230 = tpu.memref_slice %arg3[%add3A_42] : memref<19660800xf32, #tpu.memory_space<hbm>> -> memref<61440xf32, #tpu.memory_space<hbm>>
    tpu.enqueue_dma source(%arg5 : memref<61440xf32, #tpu.memory_space<vmem>>) target(%dma_start3A_230 : memref<61440xf32, #tpu.memory_space<hbm>>) target_semaphore(%dma_start3A_229 : memref<!tpu.dma_semaphore, #tpu.memory_space<semaphore_mem>>)
    %dma_wait3A_231 = arith.constant 0 : i32
    %dma_wait3A_232 = tpu.memref_slice %arg3[%add3A_40] : memref<19660800xf32, #tpu.memory_space<hbm>> -> memref<61440xf32, #tpu.memory_space<hbm>>
    %dma_wait3A_233 = tpu.memref_slice %arg7[%dma_wait3A_231] : memref<2x!tpu.dma_semaphore, #tpu.memory_space<semaphore_mem>> -> memref<1x!tpu.dma_semaphore, #tpu.memory_space<semaphore_mem>>
    %dma_wait3A_234 = tpu.memref_squeeze %dma_wait3A_233 : memref<1x!tpu.dma_semaphore, #tpu.memory_space<semaphore_mem>> -> memref<!tpu.dma_semaphore, #tpu.memory_space<semaphore_mem>>
    %dma_wait3A_235 = tpu.memref_slice %arg3[%add3A_40] : memref<19660800xf32, #tpu.memory_space<hbm>> -> memref<61440xf32, #tpu.memory_space<hbm>>
    tpu.wait_dma2 semaphore(%dma_wait3A_234 : memref<!tpu.dma_semaphore, #tpu.memory_space<semaphore_mem>>) src(%arg4 : memref<61440xf32, #tpu.memory_space<vmem>>) dst(%dma_wait3A_235 : memref<61440xf32, #tpu.memory_space<hbm>>)
    %dma_wait3A_236 = arith.constant 1 : i32
    %dma_wait3A_237 = tpu.memref_slice %arg3[%add3A_42] : memref<19660800xf32, #tpu.memory_space<hbm>> -> memref<61440xf32, #tpu.memory_space<hbm>>
    %dma_wait3A_238 = tpu.memref_slice %arg7[%dma_wait3A_236] : memref<2x!tpu.dma_semaphore, #tpu.memory_space<semaphore_mem>> -> memref<1x!tpu.dma_semaphore, #tpu.memory_space<semaphore_mem>>
    %dma_wait3A_239 = tpu.memref_squeeze %dma_wait3A_238 : memref<1x!tpu.dma_semaphore, #tpu.memory_space<semaphore_mem>> -> memref<!tpu.dma_semaphore, #tpu.memory_space<semaphore_mem>>
    %dma_wait3A_240 = tpu.memref_slice %arg3[%add3A_42] : memref<19660800xf32, #tpu.memory_space<hbm>> -> memref<61440xf32, #tpu.memory_space<hbm>>
    tpu.wait_dma2 semaphore(%dma_wait3A_239 : memref<!tpu.dma_semaphore, #tpu.memory_space<semaphore_mem>>) src(%arg5 : memref<61440xf32, #tpu.memory_space<vmem>>) dst(%dma_wait3A_240 : memref<61440xf32, #tpu.memory_space<hbm>>)
    return
  }
}

</mosaic_0001>

<sc_bundles>
// kernel: kernel.3.cloned.1.call-start
scs
__scs_entry_jumppad:
0x0: {  	(pc) =	sbr.rel $0x88, $3  }
0x1: {  	(tag) =	ssettag $0x0;
	lr =	simm.s32 $0x1  }
0x2: {  	[smem:$0x3FA0] =	sst lr;
	_ =	strace $0xD0000000  }
0x3: {  	_ = 	snop  }
0x4: {  	_ = 	snop  }
0x5: {  	_ = 	snop  }
0x6: {  	_ = 	snop  }
0x7: {  	_ = 	snop  }
__scs_overlays_trampoline_lowered:
0x8: {  	[smem:$0x3FAF] =	sst s0  }
0x9: {  	[smem:$0x3FB0] =	sst s1  }
0xa: {  	[smem:$0x3FB1] =	sst s2  }
0xb: {  	[smem:$0x3FB2] =	sst s3  }
0xc: {  	[smem:$0x3FB3] =	sst s4  }
0xd: {  	[smem:$0x3FB4] =	sst s5  }
0xe: {  	[smem:$0x3FB5] =	sst s6  }
0xf: {  	[smem:$0x3FB6] =	sst s7  }
0x10: {  	[smem:$0x3FB7] =	sst s8  }
0x11: {  	[smem:$0x3FB8] =	sst s9;
	s0 =	simm.s32 @!p0 $0x0  }
0x12: {  	s1 =	sld [smem:$0x3F9E];
	s0 =	simm.s32 @p0 $0x1  }
0x13: {  	[smem:$0x3FB9] =	sst s0;
	s0 =	simm.s32 @!p1 $0x0  }
0x14: {  	s2 =	sld [smem:$0x3F9D];
	s0 =	simm.s32 @p1 $0x1  }
0x15: {  	[smem:$0x3FBA] =	sst s0;
	s0 =	simm.s32 @!p2 $0x0  }
0x16: {  	s3 =	sld [smem:$0x3FDB];
	s0 =	simm.s32 @p2 $0x1  }
0x17: {  	s4 =	simm.s32 $0x1BF5;
	[smem:$0x3FBC] =	sst s0  }
0x18: {  	s0 =	sld [smem:$0x3F9F];
	_ =	swait.ge [sflag:s4], $0x0  }
0x19: {  	s7 =	sld [smem:$0x3FA0]  }
0x1a: {  	s8 =	sadd.s32 $0xFFFFE003, lr  }
0x1b: {  	s9 =	sadd.s32 $0xFFFFFEF7, lr;
	s5 =	simm.s32 $0xFFFFFFFF;
	p2 =	slt.u32 s8, $0xFFFFF086  }
0x1c: {  	p1 =	slt.u32 s9, $0xF7A;
	s5 =	simm.s32 @!p2 $0x0  }
0x1d: {  	s5 =	simm.s32 @p1 $0x1;
	p0 =	seq.s32 s7, s2  }
0x1e: {  	s7 =	smul.u32 @!p0 $0xF7A, s2;
	p2 =	seq.s32 @!p0 s5, $0x0  }
0x1f: {  	s9 =	smul.u32 $0xF7A, s1;
	s8 =	simm.s32 @!p0 $0x1BF5;
	p2 =	por !p2, p0  }
0x20: {  	[sflag:s8] =	ssyncset.s32 @!p0 $0xFFFFF086;
	s6 =	sadd.s32 @!p0 s3, s7;
	s7 =	simm.s32 @!p0 $0x108  }
0x21: {  	s3 =	sadd.s32 s3, s9;
	s6 =	sadd.s32 @!p0 $0x88, s6;
	s7 =	simm.s32 @p2 $0x1082  }
0x22: {  	[simem:s7], [sflag:s8] =	dma.local @!p0 [hbm:s6], $0xF7A  }
0x23: {  	s9 =	sor.u32 $0xD0000000, s2;
	s6 =	simm.s32 $0x108;
	_ =	swait.ge @!p0 [sflag:s8], $0x0  }
0x24: {  	s3 =	sadd.s32 $0x88, s3;
	s6 =	simm.s32 @!p1 $0x1082;
	[sflag:s4] =	ssyncset.s32 $0xFFFFF086  }
0x25: {  	[simem:s6], [sflag:s4] =	dma.local [hbm:s3], $0xF7A  }
0x26: {  	[smem:$0x3FA0] =	sst s1;
	(tag) =	ssettag s2;
	_ =	strace s9  }
0x27: {  	s1 =	sld [smem:$0x3FB0]  }
0x28: {  	s2 =	sld [smem:$0x3FB1]  }
0x29: {  	s4 =	sld [smem:$0x3FB3]  }
0x2a: {  	p0 =	seq.s32 s5, $0x0;
	s5 =	sld [smem:$0x3FB4]  }
0x2b: {  	s6 =	sld [smem:$0x3FB5]  }
0x2c: {  	s7 =	sld [smem:$0x3FB6]  }
0x2d: {  	s3 =	simm.s32 $0x108;
	s8 =	sld [smem:$0x3FB7]  }
0x2e: {  	s3 =	simm.s32 @!p0 $0x1082;
	s9 =	sld [smem:$0x3FB8]  }
0x2f: {  	lr =	sadd.s32 s0, s3;
	s0 =	sld [smem:$0x3FAF]  }
0x30: {  	s3 =	sld [smem:$0x3FB2]  }
0x31: {  	[smem:$0x3FBB] =	sst s10  }
0x32: {  	s10 =	sld [smem:$0x3FB9];
	_ =	sdelay $0x3  }
0x33: {  	p0 =	seq.s32 s10, $0x1;
	s10 =	sld [smem:$0x3FBB];
	_ =	sdelay $0x3  }
0x34: {  	[smem:$0x3FBB] =	sst s10  }
0x35: {  	s10 =	sld [smem:$0x3FBA];
	_ =	sdelay $0x3  }
0x36: {  	p1 =	seq.s32 s10, $0x1;
	s10 =	sld [smem:$0x3FBB];
	_ =	sdelay $0x3  }
0x37: {  	[smem:$0x3FBB] =	sst s10  }
0x38: {  	s10 =	sld [smem:$0x3FBC]  }
0x39: {  	_ = 	snop;
	(pc) =	sbr.ind lr, $3  }
0x3a: {  	_ = 	snop  }
0x3b: {  	_ = 	snop  }
0x3c: {  	p2 =	seq.s32 s10, $0x1;
	s10 =	sld [smem:$0x3FBB]  }
0x3d: {  	_ =	shalt  }
0x3e: {  	_ =	shalt  }
0x3f: {  	_ =	shalt  }
0x40: {  	_ =	shalt  }
0x41: {  	_ =	shalt  }
0x42: {  	_ =	shalt  }
0x43: {  	_ =	shalt  }
0x44: {  	_ =	shalt  }
0x45: {  	_ =	shalt  }
0x46: {  	_ =	shalt  }
0x47: {  	_ =	shalt  }
0x48: {  	_ =	shalt  }
0x49: {  	_ =	shalt  }
0x4a: {  	_ =	shalt  }
0x4b: {  	_ =	shalt  }
0x4c: {  	_ =	shalt  }
0x4d: {  	_ =	shalt  }
0x4e: {  	_ =	shalt  }
0x4f: {  	_ =	shalt  }
0x50: {  	_ =	shalt  }
0x51: {  	_ =	shalt  }
0x52: {  	_ =	shalt  }
0x53: {  	_ =	shalt  }
0x54: {  	_ =	shalt  }
0x55: {  	_ =	shalt  }
0x56: {  	_ =	shalt  }
0x57: {  	_ =	shalt  }
0x58: {  	_ =	shalt  }
0x59: {  	_ =	shalt  }
0x5a: {  	_ =	shalt  }
0x5b: {  	_ =	shalt  }
0x5c: {  	_ =	shalt  }
0x5d: {  	_ =	shalt  }
0x5e: {  	_ =	shalt  }
0x5f: {  	_ =	shalt  }
0x60: {  	_ =	shalt  }
0x61: {  	_ =	shalt  }
0x62: {  	_ =	shalt  }
0x63: {  	_ =	shalt  }
0x64: {  	_ =	shalt  }
0x65: {  	_ =	shalt  }
0x66: {  	_ =	shalt  }
0x67: {  	_ =	shalt  }
0x68: {  	_ =	shalt  }
0x69: {  	_ =	shalt  }
0x6a: {  	_ =	shalt  }
0x6b: {  	_ =	shalt  }
0x6c: {  	_ =	shalt  }
0x6d: {  	_ =	shalt  }
0x6e: {  	_ =	shalt  }
0x6f: {  	_ =	shalt  }
0x70: {  	_ =	shalt  }
0x71: {  	_ =	shalt  }
0x72: {  	_ =	shalt  }
0x73: {  	_ =	shalt  }
0x74: {  	_ =	shalt  }
0x75: {  	_ =	shalt  }
0x76: {  	_ =	shalt  }
0x77: {  	_ =	shalt  }
0x78: {  	_ =	shalt  }
0x79: {  	_ =	shalt  }
0x7a: {  	_ =	shalt  }
0x7b: {  	_ =	shalt  }
0x7c: {  	_ =	shalt  }
0x7d: {  	_ =	shalt  }
0x7e: {  	_ =	shalt  }
0x7f: {  	_ =	shalt  }
0x80: {  	_ =	shalt  }
0x81: {  	_ =	shalt  }
0x82: {  	_ =	shalt  }
0x83: {  	_ =	shalt  }
0x84: {  	_ =	shalt  }
0x85: {  	_ =	shalt  }
0x86: {  	_ =	shalt  }
0x87: {  	_ =	shalt  }
.Lfunc_end0:
.L_simem_size_0:
called_computation_lowered:
.L_overlay_start_0:
0x88: {  	s2 =	sld [smem:$0x3FD9]  }
0x89: {  	s3 =	sld [smem:$0x3FFE];
	_ =	sdelay $0x1  }
0x8a: {  	s1 =	srdreg.scid  }
0x8b: {  	s0 =	sand.u32 $0x1, s1  }
0x8c: {  	s17 =	sshll.u32 s0, $0xA;
	s2 =	sadd.s32 s3, s2  }
0x8d: {  	s2 =	sadd.s32 s2, s17  }
0x8e: {  	[smem:$0x3FC7] =	sst s2  }
0x8f: {  	_ = 	snop  }
0x90: {  	s2 =	sld [smem:$0x3FD0];
	(tm) =	ssettm $0x1  }
0x91: {  	s18 =	sld [smem:$0x3FFB];
	_ =	sdelay $0x3  }
0x92: {  	_ =	strace s18  }
0x93: {  	s3 =	sld [smem:$0x3FFC];
	_ =	sdelay $0x3  }
0x94: {  	_ =	strace s3  }
0x95: {  	s3 =	sld [smem:$0x3FFD];
	_ =	sdelay $0x3  }
0x96: {  	_ =	strace s3  }
0x97: {  	_ =	strace $0x8FFFFFFF  }
0x98: {  	s19 =	sld [smem:$0x3FDB];
	_ =	sdelay $0x1  }
0x99: {  	s4 =	simm.s32 $_scs_section_size  }
0x9a: {  	s5 =	simm.s32 $_size__tile_overlayer_lowered;
	s6 =	simm.s32 $_tile_overlayer_lowered  }
0x9b: {  	s22 =	simm.s32 $0x1BFF;
	s21 =	sshll.u32 s6, $0x1;
	s3 =	sadd.s32 s4, s19  }
0x9c: {  	s7 =	simm.s32 $0x0;
	s20 =	sshll.u32 s5, $0x1;
	s5 =	sadd.s32 s21, s3  }
0x9d: {  	[timem:s7], [sflag:s22] =	dma.local [hbm:s5], s20  }
0x9e: {  	_ =	swait.ge [sflag:s22], s20  }
0x9f: {  	s4 =	ssub.s32 $0x0, s20;
	[sflag:s22] =	ssyncset.done $0x0  }
0xa0: {  	[sflag:s22] =	ssyncadd.s32 s4;
	_ =	sdelay $0x1  }
0xa1: {  	s23 =	simm.s32 $0x1B8B  }
0xa2: {  	_ =	swait.ge [sflag:s23], $0x1  }
0xa3: {  	[sflag:s23] =	ssyncset.done $0x0  }
0xa4: {  	s25 =	simm.s32 $0x1B8E;
	s24 =	sld [smem:$0x3FFE];
	[sflag:s23] =	ssyncadd.s32 $0xFFFFFFFF  }
0xa5: {  	s26 =	simm.s32 $execute0_lowered;
	[smem:$0x3FD2] =	sst s25  }
0xa6: {  	s5 =	sshll.u32 s26, $0x1;
	_ =	strace $0x80000046;
	[dreg:$0x1] =	wrdreg $0xFFFFFFFF  }
0xa7: {  	s28 =	simm.s32 $_size_execute0_lowered;
	s3 =	sadd.s32 s3, s5;
	[dreg:$0x0] =	wrdreg $0x0  }
0xa8: {  	s5 =	sshll.u32 s28, $0x1;
	[dreg:$0x2] =	wrdreg s3  }
0xa9: {  	[dreg:$0x3] =	wrdreg s5  }
0xaa: {  	[dreg:$0x4] =	wrdreg $0xC0  }
0xab: {  	_ =	task [dreg:s7], $0x5FFFF  }
0xac: {  	[dreg:$0x1] =	wrdreg $0xFFFFFFFF  }
0xad: {  	[dreg:$0x0] =	wrdreg $0x60  }
0xae: {  	[dreg:$0x2] =	wrdreg s2  }
0xaf: {  	[dreg:$0x3] =	wrdreg s24  }
0xb0: {  	[dreg:$0x4] =	wrdreg $0x9  }
0xb1: {  	_ =	task.clear_ibuf [dreg:s7], $0x5FFFF;
	_ =	strace $0x90000046  }
0xb2: {  	s29 =	simm.s32 $0x9;
	_ =	strace $0x80000048  }
0xb3: {  	_ =	swait.ge [sflag:s29], $0x1  }
0xb4: {  	[sflag:s29] =	ssyncadd.s32 $0xFFFFFFFF  }
0xb5: {  	_ =	strace $0x90000048  }
0xb6: {  	_ =	sfence  }
0xb7: {  	s30 =	sld [smem:$0x0];
	_ =	sdelay $0x2  }
0xb8: {  	s31 =	sshll.u32 s1, $0xD;
	s1 =	sshrl.u32 s1, $0x2  }
0xb9: {  	s3 =	sand.u32 $0x4000, s31;
	s1 =	sadd.s32 s1, s30  }
0xba: {  	s0 =	sor.u32 s3, s0;
	s1 =	sshll.u32 s1, $0x11  }
0xbb: {  	s0 =	sor.u32 s1, s0  }
0xbc: {  	s0 =	sadd.s32 $0x8F2B, s0  }
0xbd: {  	[sflag:s0] =	ssyncadd.remote.s32 $0x1  }
0xbe: {  	_ =	sfence.sel $0xFFFF  }
0xbf: {  	[dreg:$0x0] =	wrdreg $0xFFFFFFFF;
	(pc) =	sbr.abs _section_cstart, $3  }
0xc0: {  	[dreg:$0x1] =	wrdreg $0xFFFFFFFF  }
0xc1: {  	_ =	task.clear_ibuf [dreg:s7], $0x2FFFF;
	_ =	strace $0x9FFFFFFF  }
0xc2: {  	(tm) =	ssettm $0x7FFFFFFF  }
0xc3: {  	_ =	shalt  }
tec
execute0_lowered:
.L_overlay_start_1:
0x0: {  	(tag) =	ssettag $0x1  }
0x1: {  	s1 =	srdreg.scid;
	s0 =	stileid.u32  }
0x2: {  	s29 =	sand.u32 $0x1, s1;
	s30 =	sshll.u32 s0, $0x1  }
0x3: {  	s25 =	rddreg [dreg:$0x0];
	s1 =	sor.u32 s29, s30  }
0x4: {  	s7 =	rddreg [dreg:$0x1];
	s2 =	simm.s32 $0x0;
	s3 =	smul.u32 $0x96000, s1  }
0x5: {  	[smem:$0x7FF] =	sst s2  }
0x6: {  	s1 =	rddreg [dreg:$0x2];
	s26 =	sshrl.u32 s3, $0x3  }
0x7: {  	_ =	strace $0x80000047;
	s3 =	sadd.s32 s25, s26;
	s11 =	sadd.s32 $0x1E00, s26  }
0x8: {  	[tilespmem:s2], [sflag:$0x1] =	stream.linear.gather [hbm4b:s3+s2], $0xF000, $0x38;
	[tilespmem:$0x1E000] =	vst v63  }
0x9: {  	s5 =	simm.s32 $0xF000;
	s6 =	simm.s32 $0x1;
	s4 =	sadd.s32 s25, s11  }
0xa: {  	[tilespmem:s5], [sflag:$0x2] =	stream.linear.gather [hbm4b:s4+s2], $0xF000, $0x38;
	[tilespmem:$0x1E000] =	vst v63  }
0xb: {  	_ =	swait.ge [sflag:s6], $0xF000  }
0xc: {  	s28 =	sadd.s32 $0x400, s7;
	[sflag:s6] =	ssyncset.done $0x0  }
0xd: {  	s8 =	simm.s32 $0x3;
	s7 =	sadd.s32 s28, s26;
	[sflag:s6] =	ssyncadd.s32 $0xFFFF1000  }
0xe: {  	[hbm4b:s7+s2] =	stream.linear.scatter [tilespmem:s2], [sflag:$0x3], $0xF000, $0x38;
	[tilespmem:$0x1E000] =	vst v63  }
0xf: {  	_ =	swait.ge [sflag:s8], $0xF000  }
0x10: {  	s14 =	sadd.s32 $0x3C00, s26;
	[sflag:s8] =	ssyncset.done $0x0  }
0x11: {  	s10 =	simm.s32 $0x2;
	s9 =	sadd.s32 s25, s14;
	[sflag:s8] =	ssyncadd.s32 $0xFFFF1000  }
0x12: {  	[tilespmem:s2], [sflag:$0x1] =	stream.linear.gather [hbm4b:s9+s2], $0xF000, $0x38;
	[tilespmem:$0x1E000] =	vst v63  }
0x13: {  	_ =	swait.ge [sflag:s10], $0xF000  }
0x14: {  	[sflag:s10] =	ssyncset.done $0x0  }
0x15: {  	s12 =	sadd.s32 s28, s11;
	s11 =	simm.s32 $0x4;
	[sflag:s10] =	ssyncadd.s32 $0xFFFF1000  }
0x16: {  	[hbm4b:s12+s2] =	stream.linear.scatter [tilespmem:s5], [sflag:$0x4], $0xF000, $0x38;
	[tilespmem:$0x1E000] =	vst v63  }
0x17: {  	_ =	swait.ge [sflag:s11], $0xF000  }
0x18: {  	s16 =	sadd.s32 $0x5A00, s26;
	[sflag:s11] =	ssyncset.done $0x0  }
0x19: {  	s13 =	sadd.s32 s25, s16;
	[sflag:s11] =	ssyncadd.s32 $0xFFFF1000  }
0x1a: {  	[tilespmem:s5], [sflag:$0x2] =	stream.linear.gather [hbm4b:s13+s2], $0xF000, $0x38;
	[tilespmem:$0x1E000] =	vst v63  }
0x1b: {  	_ =	swait.ge [sflag:s6], $0xF000  }
0x1c: {  	[sflag:s6] =	ssyncset.done $0x0  }
0x1d: {  	s14 =	sadd.s32 s28, s14;
	[sflag:s6] =	ssyncadd.s32 $0xFFFF1000  }
0x1e: {  	[hbm4b:s14+s2] =	stream.linear.scatter [tilespmem:s2], [sflag:$0x3], $0xF000, $0x38;
	[tilespmem:$0x1E000] =	vst v63  }
0x1f: {  	_ =	swait.ge [sflag:s8], $0xF000  }
0x20: {  	s18 =	sadd.s32 $0x7800, s26;
	[sflag:s8] =	ssyncset.done $0x0  }
0x21: {  	s15 =	sadd.s32 s25, s18;
	[sflag:s8] =	ssyncadd.s32 $0xFFFF1000  }
0x22: {  	[tilespmem:s2], [sflag:$0x1] =	stream.linear.gather [hbm4b:s15+s2], $0xF000, $0x38;
	[tilespmem:$0x1E000] =	vst v63  }
0x23: {  	_ =	swait.ge [sflag:s10], $0xF000  }
0x24: {  	[sflag:s10] =	ssyncset.done $0x0  }
0x25: {  	s16 =	sadd.s32 s28, s16;
	[sflag:s10] =	ssyncadd.s32 $0xFFFF1000  }
0x26: {  	[hbm4b:s16+s2] =	stream.linear.scatter [tilespmem:s5], [sflag:$0x4], $0xF000, $0x38;
	[tilespmem:$0x1E000] =	vst v63  }
0x27: {  	_ =	swait.ge [sflag:s11], $0xF000  }
0x28: {  	s20 =	sadd.s32 $0x9600, s26;
	[sflag:s11] =	ssyncset.done $0x0  }
0x29: {  	s17 =	sadd.s32 s25, s20;
	[sflag:s11] =	ssyncadd.s32 $0xFFFF1000  }
0x2a: {  	[tilespmem:s5], [sflag:$0x2] =	stream.linear.gather [hbm4b:s17+s2], $0xF000, $0x38;
	[tilespmem:$0x1E000] =	vst v63  }
0x2b: {  	_ =	swait.ge [sflag:s6], $0xF000  }
0x2c: {  	[sflag:s6] =	ssyncset.done $0x0  }
0x2d: {  	s18 =	sadd.s32 s28, s18;
	[sflag:s6] =	ssyncadd.s32 $0xFFFF1000  }
0x2e: {  	[hbm4b:s18+s2] =	stream.linear.scatter [tilespmem:s2], [sflag:$0x3], $0xF000, $0x38;
	[tilespmem:$0x1E000] =	vst v63  }
0x2f: {  	_ =	swait.ge [sflag:s8], $0xF000  }
0x30: {  	s22 =	sadd.s32 $0xB400, s26;
	[sflag:s8] =	ssyncset.done $0x0  }
0x31: {  	s19 =	sadd.s32 s25, s22;
	[sflag:s8] =	ssyncadd.s32 $0xFFFF1000  }
0x32: {  	[tilespmem:s2], [sflag:$0x1] =	stream.linear.gather [hbm4b:s19+s2], $0xF000, $0x38;
	[tilespmem:$0x1E000] =	vst v63  }
0x33: {  	_ =	swait.ge [sflag:s10], $0xF000  }
0x34: {  	[sflag:s10] =	ssyncset.done $0x0  }
0x35: {  	s20 =	sadd.s32 s28, s20;
	[sflag:s10] =	ssyncadd.s32 $0xFFFF1000  }
0x36: {  	[hbm4b:s20+s2] =	stream.linear.scatter [tilespmem:s5], [sflag:$0x4], $0xF000, $0x38;
	[tilespmem:$0x1E000] =	vst v63  }
0x37: {  	_ =	swait.ge [sflag:s11], $0xF000  }
0x38: {  	s24 =	sadd.s32 $0xD200, s26;
	[sflag:s11] =	ssyncset.done $0x0  }
0x39: {  	s21 =	sadd.s32 s25, s24;
	[sflag:s11] =	ssyncadd.s32 $0xFFFF1000  }
0x3a: {  	[tilespmem:s5], [sflag:$0x2] =	stream.linear.gather [hbm4b:s21+s2], $0xF000, $0x38;
	[tilespmem:$0x1E000] =	vst v63  }
0x3b: {  	_ =	swait.ge [sflag:s6], $0xF000  }
0x3c: {  	[sflag:s6] =	ssyncset.done $0x0  }
0x3d: {  	s22 =	sadd.s32 s28, s22;
	[sflag:s6] =	ssyncadd.s32 $0xFFFF1000  }
0x3e: {  	[hbm4b:s22+s2] =	stream.linear.scatter [tilespmem:s2], [sflag:$0x3], $0xF000, $0x38;
	[tilespmem:$0x1E000] =	vst v63  }
0x3f: {  	_ =	swait.ge [sflag:s8], $0xF000  }
0x40: {  	s30 =	sadd.s32 $0xF000, s26;
	[sflag:s8] =	ssyncset.done $0x0  }
0x41: {  	s23 =	sadd.s32 s25, s30;
	[sflag:s8] =	ssyncadd.s32 $0xFFFF1000  }
0x42: {  	[tilespmem:s2], [sflag:$0x1] =	stream.linear.gather [hbm4b:s23+s2], $0xF000, $0x38;
	[tilespmem:$0x1E000] =	vst v63  }
0x43: {  	_ =	swait.ge [sflag:s10], $0xF000  }
0x44: {  	[sflag:s10] =	ssyncset.done $0x0  }
0x45: {  	s24 =	sadd.s32 s28, s24;
	[sflag:s10] =	ssyncadd.s32 $0xFFFF1000  }
0x46: {  	[hbm4b:s24+s2] =	stream.linear.scatter [tilespmem:s5], [sflag:$0x4], $0xF000, $0x38;
	[tilespmem:$0x1E000] =	vst v63  }
0x47: {  	_ =	swait.ge [sflag:s11], $0xF000  }
0x48: {  	s31 =	sadd.s32 $0x10E00, s26;
	[sflag:s11] =	ssyncset.done $0x0  }
0x49: {  	s25 =	sadd.s32 s25, s31;
	[sflag:s11] =	ssyncadd.s32 $0xFFFF1000  }
0x4a: {  	[tilespmem:s5], [sflag:$0x2] =	stream.linear.gather [hbm4b:s25+s2], $0xF000, $0x38;
	[tilespmem:$0x1E000] =	vst v63  }
0x4b: {  	_ =	swait.ge [sflag:s6], $0xF000  }
0x4c: {  	s29 =	ssub.s32 $0x2, s29;
	s26 =	sadd.s32 s28, s30;
	[sflag:s6] =	ssyncset.done $0x0  }
0x4d: {  	s28 =	sadd.s32 s28, s31;
	s31 =	sshrl.u32 s29, $0x1;
	[sflag:s6] =	ssyncadd.s32 $0xFFFF1000  }
0x4e: {  	[hbm4b:s26+s2] =	stream.linear.scatter [tilespmem:s2], [sflag:$0x3], $0xF000, $0x38;
	[tilespmem:$0x1E000] =	vst v63  }
0x4f: {  	s29 =	ssub.s32 s29, s31;
	_ =	swait.ge [sflag:s10], $0xF000  }
0x50: {  	s29 =	smax.u32 s29, $0x1;
	[sflag:s10] =	ssyncset.done $0x0  }
0x51: {  	p0 =	sne.s32 s29, $0x1;
	[sflag:s10] =	ssyncadd.s32 $0xFFFF1000  }
0x52: {  	[hbm4b:s28+s2] =	stream.linear.scatter [tilespmem:s5], [sflag:$0x4], $0xF000, $0x38;
	[tilespmem:$0x1E000] =	vst v63  }
.Ltmp0:
0x53: {  	_ =	swait.ge [sflag:s8], $0xF000;
	(pc) =	sbr.rel @!p0 .LBB2_2-.Ltmp0, $4  }
0x54: {  	[sflag:s8] =	ssyncset.done $0x0  }
0x55: {  	[sflag:s8] =	ssyncadd.s32 $0xFFFF1000  }
0x56: {  	_ =	swait.ge [sflag:s11], $0xF000  }
0x57: {  	s29 =	sadd.s32 $0xFFFFFFFF, s29;
	[sflag:s11] =	ssyncset.done $0x0  }
.LBB2_1:
0x58: {  	p0 =	sne.s32 s29, $0x1;
	s29 =	sadd.s32 $0xFFFFFFFF, s29;
	[sflag:s11] =	ssyncadd.s32 $0xFFFF1000  }
0x59: {  	[tilespmem:s2], [sflag:$0x1] =	stream.linear.gather [hbm4b:s3+s2], $0xF000, $0x38;
	[tilespmem:$0x1E000] =	vst v63  }
0x5a: {  	_ = 	snop  }
0x5b: {  	[tilespmem:s5], [sflag:$0x2] =	stream.linear.gather [hbm4b:s4+s2], $0xF000, $0x38;
	[tilespmem:$0x1E000] =	vst v63  }
0x5c: {  	_ =	swait.ge [sflag:s6], $0xF000  }
0x5d: {  	[sflag:s6] =	ssyncset.done $0x0  }
0x5e: {  	[sflag:s6] =	ssyncadd.s32 $0xFFFF1000  }
0x5f: {  	[hbm4b:s7+s2] =	stream.linear.scatter [tilespmem:s2], [sflag:$0x3], $0xF000, $0x38;
	[tilespmem:$0x1E000] =	vst v63  }
0x60: {  	_ =	swait.ge [sflag:s8], $0xF000  }
0x61: {  	[sflag:s8] =	ssyncset.done $0x0  }
0x62: {  	[sflag:s8] =	ssyncadd.s32 $0xFFFF1000  }
0x63: {  	[tilespmem:s2], [sflag:$0x1] =	stream.linear.gather [hbm4b:s9+s2], $0xF000, $0x38;
	[tilespmem:$0x1E000] =	vst v63  }
0x64: {  	_ =	swait.ge [sflag:s10], $0xF000  }
0x65: {  	[sflag:s10] =	ssyncset.done $0x0  }
0x66: {  	[sflag:s10] =	ssyncadd.s32 $0xFFFF1000  }
0x67: {  	[hbm4b:s12+s2] =	stream.linear.scatter [tilespmem:s5], [sflag:$0x4], $0xF000, $0x38;
	[tilespmem:$0x1E000] =	vst v63  }
0x68: {  	_ =	swait.ge [sflag:s11], $0xF000  }
0x69: {  	[sflag:s11] =	ssyncset.done $0x0  }
0x6a: {  	[sflag:s11] =	ssyncadd.s32 $0xFFFF1000  }
0x6b: {  	[tilespmem:s5], [sflag:$0x2] =	stream.linear.gather [hbm4b:s13+s2], $0xF000, $0x38;
	[tilespmem:$0x1E000] =	vst v63  }
0x6c: {  	_ =	swait.ge [sflag:s6], $0xF000  }
0x6d: {  	[sflag:s6] =	ssyncset.done $0x0  }
0x6e: {  	[sflag:s6] =	ssyncadd.s32 $0xFFFF1000  }
0x6f: {  	[hbm4b:s14+s2] =	stream.linear.scatter [tilespmem:s2], [sflag:$0x3], $0xF000, $0x38;
	[tilespmem:$0x1E000] =	vst v63  }
0x70: {  	_ =	swait.ge [sflag:s8], $0xF000  }
0x71: {  	[sflag:s8] =	ssyncset.done $0x0  }
0x72: {  	[sflag:s8] =	ssyncadd.s32 $0xFFFF1000  }
0x73: {  	[tilespmem:s2], [sflag:$0x1] =	stream.linear.gather [hbm4b:s15+s2], $0xF000, $0x38;
	[tilespmem:$0x1E000] =	vst v63  }
0x74: {  	_ =	swait.ge [sflag:s10], $0xF000  }
0x75: {  	[sflag:s10] =	ssyncset.done $0x0  }
0x76: {  	[sflag:s10] =	ssyncadd.s32 $0xFFFF1000  }
0x77: {  	[hbm4b:s16+s2] =	stream.linear.scatter [tilespmem:s5], [sflag:$0x4], $0xF000, $0x38;
	[tilespmem:$0x1E000] =	vst v63  }
0x78: {  	_ =	swait.ge [sflag:s11], $0xF000  }
0x79: {  	[sflag:s11] =	ssyncset.done $0x0  }
0x7a: {  	[sflag:s11] =	ssyncadd.s32 $0xFFFF1000  }
0x7b: {  	[tilespmem:s5], [sflag:$0x2] =	stream.linear.gather [hbm4b:s17+s2], $0xF000, $0x38;
	[tilespmem:$0x1E000] =	vst v63  }
0x7c: {  	_ =	swait.ge [sflag:s6], $0xF000  }
0x7d: {  	[sflag:s6] =	ssyncset.done $0x0  }
0x7e: {  	[sflag:s6] =	ssyncadd.s32 $0xFFFF1000  }
0x7f: {  	[hbm4b:s18+s2] =	stream.linear.scatter [tilespmem:s2], [sflag:$0x3], $0xF000, $0x38;
	[tilespmem:$0x1E000] =	vst v63  }
0x80: {  	_ =	swait.ge [sflag:s8], $0xF000  }
0x81: {  	[sflag:s8] =	ssyncset.done $0x0  }
0x82: {  	[sflag:s8] =	ssyncadd.s32 $0xFFFF1000  }
0x83: {  	[tilespmem:s2], [sflag:$0x1] =	stream.linear.gather [hbm4b:s19+s2], $0xF000, $0x38;
	[tilespmem:$0x1E000] =	vst v63  }
0x84: {  	_ =	swait.ge [sflag:s10], $0xF000  }
0x85: {  	[sflag:s10] =	ssyncset.done $0x0  }
0x86: {  	[sflag:s10] =	ssyncadd.s32 $0xFFFF1000  }
0x87: {  	[hbm4b:s20+s2] =	stream.linear.scatter [tilespmem:s5], [sflag:$0x4], $0xF000, $0x38;
	[tilespmem:$0x1E000] =	vst v63  }
0x88: {  	_ =	swait.ge [sflag:s11], $0xF000  }
0x89: {  	[sflag:s11] =	ssyncset.done $0x0  }
0x8a: {  	[sflag:s11] =	ssyncadd.s32 $0xFFFF1000  }
0x8b: {  	[tilespmem:s5], [sflag:$0x2] =	stream.linear.gather [hbm4b:s21+s2], $0xF000, $0x38;
	[tilespmem:$0x1E000] =	vst v63  }
0x8c: {  	_ =	swait.ge [sflag:s6], $0xF000  }
0x8d: {  	[sflag:s6] =	ssyncset.done $0x0  }
0x8e: {  	[sflag:s6] =	ssyncadd.s32 $0xFFFF1000  }
0x8f: {  	[hbm4b:s22+s2] =	stream.linear.scatter [tilespmem:s2], [sflag:$0x3], $0xF000, $0x38;
	[tilespmem:$0x1E000] =	vst v63  }
0x90: {  	_ =	swait.ge [sflag:s8], $0xF000  }
0x91: {  	[sflag:s8] =	ssyncset.done $0x0  }
0x92: {  	[sflag:s8] =	ssyncadd.s32 $0xFFFF1000  }
0x93: {  	[tilespmem:s2], [sflag:$0x1] =	stream.linear.gather [hbm4b:s23+s2], $0xF000, $0x38;
	[tilespmem:$0x1E000] =	vst v63  }
0x94: {  	_ =	swait.ge [sflag:s10], $0xF000  }
0x95: {  	[sflag:s10] =	ssyncset.done $0x0  }
0x96: {  	[sflag:s10] =	ssyncadd.s32 $0xFFFF1000  }
0x97: {  	[hbm4b:s24+s2] =	stream.linear.scatter [tilespmem:s5], [sflag:$0x4], $0xF000, $0x38;
	[tilespmem:$0x1E000] =	vst v63  }
0x98: {  	_ =	swait.ge [sflag:s11], $0xF000  }
0x99: {  	[sflag:s11] =	ssyncset.done $0x0  }
0x9a: {  	[sflag:s11] =	ssyncadd.s32 $0xFFFF1000  }
0x9b: {  	[tilespmem:s5], [sflag:$0x2] =	stream.linear.gather [hbm4b:s25+s2], $0xF000, $0x38;
	[tilespmem:$0x1E000] =	vst v63  }
0x9c: {  	_ =	swait.ge [sflag:s6], $0xF000  }
0x9d: {  	[sflag:s6] =	ssyncset.done $0x0  }
0x9e: {  	[sflag:s6] =	ssyncadd.s32 $0xFFFF1000  }
0x9f: {  	[hbm4b:s26+s2] =	stream.linear.scatter [tilespmem:s2], [sflag:$0x3], $0xF000, $0x38;
	[tilespmem:$0x1E000] =	vst v63  }
0xa0: {  	_ =	swait.ge [sflag:s10], $0xF000  }
0xa1: {  	[sflag:s10] =	ssyncset.done $0x0  }
0xa2: {  	[sflag:s10] =	ssyncadd.s32 $0xFFFF1000  }
0xa3: {  	[hbm4b:s28+s2] =	stream.linear.scatter [tilespmem:s5], [sflag:$0x4], $0xF000, $0x38;
	[tilespmem:$0x1E000] =	vst v63  }
.Ltmp1:
0xa4: {  	_ =	swait.ge [sflag:s8], $0xF000;
	(pc) =	sbr.rel @p0 .LBB2_1-.Ltmp1, $4  }
0xa5: {  	[sflag:s8] =	ssyncset.done $0x0  }
0xa6: {  	[sflag:s8] =	ssyncadd.s32 $0xFFFF1000  }
0xa7: {  	_ =	swait.ge [sflag:s11], $0xF000  }
0xa8: {  	[sflag:s11] =	ssyncset.done $0x0  }
.LBB2_2:
0xa9: {  	[sflag:s11] =	ssyncadd.s32 $0xFFFF1000  }
0xaa: {  	_ =	sfence.sel $0x180000  }
0xab: {  	[bflag:$0x0] =	sbarrier.arrive $0xFFFF  }
0xac: {  	p0 =	sne.s32 s0, $0x0;
	_ =	strace $0x90000047  }
0xad: {  	s0 =	sadd.s32 @!p0 $0x100000, s1;
	[bflag:$0x2] =	sbarrier.arrive $0xFFFF  }
0xae: {  	[sflag:s0] =	ssyncadd.tile.s32 @!p0 $0x1;
	_ =	shalt  }
.Lfunc_end2:
_tile_overlayer_lowered:
.L_overlay_start_2:
0xaf: {  	(tag) =	ssettag $0x2  }
0xb0: {  	s0 =	rddreg [dreg:$0x0];
	s2 =	stileid.u32  }
0xb1: {  	s1 =	rddreg [dreg:$0x1];
	p0 =	sne.s32 s2, $0x0  }
0xb2: {  	s3 =	rddreg [dreg:$0x2];
	[bflag:$0x3] =	sbarrier.arrive $0xFFFF;
	s2 =	simm.s32 @!p0 $0x1C05  }
0xb3: {  	[timem:s3], [sflag:s2] =	dma.local @!p0 [hbm:s0], s1  }
0xb4: {  	s0 =	simm.s32 @!p0 $0x5  }
0xb5: {  	_ =	swait.ge @!p0 [sflag:s0], s1  }
0xb6: {  	s1 =	ssub.s32 @!p0 $0x0, s1;
	[sflag:s0] =	ssyncset.done @!p0 $0x0  }
0xb7: {  	[sflag:s0] =	ssyncadd.s32 @!p0 s1  }
0xb8: {  	[bflag:$0x3] =	sbarrier.arrive $0xFFFF  }
0xb9: {  	_ =	shalt  }

</sc_bundles>
